<compile_context>
chip_gen: v7x
topology: tpu7x:2x2x1
jax: 0.10.2.dev20260603
libtpu: 0.0.44.dev20260713+nightly
codegen_flags: <defaults>
</compile_context>

<pallas_src>
import jax
import jax.numpy as jnp
from jax import lax
from jax.experimental import pallas as pl
from jax.experimental.pallas import tpu as pltpu
from jax.experimental.pallas import tpu_sc as plsc

_B = 16
_T = 2048
_L = 16
_CHUNKS = _T // _L

_DNUMS = lax.GatherDimensionNumbers(
    offset_dims=(), collapsed_slice_dims=(0,), start_index_map=(0,))


def _permute(x, idx):
    return lax.gather(x, idx[:, None], dimension_numbers=_DNUMS,
                      slice_sizes=(1,),
                      mode=lax.GatherScatterMode.PROMISE_IN_BOUNDS)


def _jitter_body(pitch_hbm, out_hbm, row_v, out_v):
    s = lax.axis_index("s")
    pltpu.sync_copy(pitch_hbm.at[s], row_v)
    iota = lax.iota(jnp.int32, _L)
    zeros_i = jnp.zeros((_L,), jnp.int32)

    def step(i, carry):
        cnt, acc, dacc, prev = carry
        f0 = row_v[pl.ds(i * _L, _L)]
        m = f0 > 0.0
        t0 = 1.0 / (f0 + 1e-5)
        acc = acc + jnp.where(m, t0, 0.0)
        keys = jnp.where(m, iota, _L + iota)
        _, sv = plsc.sort_key_val(keys, t0)
        pop = plsc.all_reduce_population_count(m)
        sh = _permute(sv, jnp.maximum(iota - 1, 0))
        vprev = jnp.where(iota == 0, prev, sh)
        dmask = (iota < pop) & ((iota > 0) | (cnt > 0))
        dacc = dacc + jnp.where(dmask, jnp.abs(sv - vprev), 0.0)
        lastv = _permute(sv, jnp.maximum(pop - 1, 0))
        prev = jnp.where(pop > 0, lastv, prev)
        return cnt + pop, acc, dacc, prev

    cnt, acc, dacc, _ = lax.fori_loop(
        0, _CHUNKS, step,
        (zeros_i, jnp.zeros((_L,), jnp.float32),
         jnp.zeros((_L,), jnp.float32), jnp.zeros((_L,), jnp.float32)),
        unroll=2)

    def tree_sum(x):
        for d in (1, 2, 4, 8):
            x = x + _permute(x, (iota + d) & (_L - 1))
        return x

    sum_valid = tree_sum(acc)
    sum_diffs = tree_sum(dacc)
    cntf = cnt.astype(jnp.float32)
    mean_t0 = sum_valid / jnp.maximum(cntf, 1.0)
    mean_d = sum_diffs / jnp.maximum(cntf - 1.0, 1.0)
    jit = jnp.where(cnt >= 2, mean_d / (mean_t0 + 1e-8), 0.0)
    out_v[...] = jnp.where(iota == 0, jit, 0.0)
    pltpu.sync_copy(out_v, out_hbm.at[s])


_jitter_call = pl.kernel(
    _jitter_body,
    out_type=jax.ShapeDtypeStruct((_B, _L), jnp.float32),
    mesh=plsc.VectorSubcoreMesh(
        core_axis_name="c", subcore_axis_name="s", num_cores=1),
    scratch_types=[
        pltpu.VMEM((_T,), jnp.float32),
        pltpu.VMEM((_L,), jnp.float32),
    ],
    compiler_params=pltpu.CompilerParams(needs_layout_passes=False),
)


def kernel(waveform, pitch_f0):
    del waveform
    out16 = _jitter_call(pitch_f0)
    return out16[:, :3]

# --- scband reference (transcript-rebuilt; emitter-appended) ---
"""Pipeline reference for scband-jitter-shimmer-hnr-11811160064477 (READ-ONLY COPY).

The authoritative reference and input builder live on the scoring server;
editing this copy changes nothing except your own understanding.
"""

import jax, jax.numpy as jnp
import numpy as np


def setup_inputs(seed: int = 0) -> dict:
    key = jax.random.key(seed)
    k1, k2 = jax.random.split(key)
    waveform = jax.random.normal(k1, (16, 327680), dtype=jnp.float32)
    pitch_f0 = jax.random.uniform(k2, (16, 2048), dtype=jnp.float32)
    return {"waveform": waveform, "pitch_f0": pitch_f0}


def reference(waveform, pitch_f0):
    B = waveform.shape[0]
    T = pitch_f0.shape[1]
    T0_frames = 1.0 / (pitch_f0 + 1e-05)
    valid_mask = pitch_f0 > 0
    idx = jnp.arange(T)
    sort_keys = jnp.where(valid_mask, idx[None, :], T)
    order = jnp.argsort(sort_keys, axis=1, stable=True)
    compressed = jnp.take_along_axis(T0_frames, order, axis=1)
    count = jnp.sum(valid_mask, axis=1)
    cmask = idx[None, :] < count[:, None]
    sum_valid = jnp.sum(jnp.where(cmask, compressed, 0.0), axis=1)
    diffs = jnp.abs(compressed[:, 1:] - compressed[:, :-1])
    dmask = idx[None, : T - 1] < (count[:, None] - 1)
    sum_diffs = jnp.sum(jnp.where(dmask, diffs, 0.0), axis=1)
    countf = count.astype(jnp.float32)
    mean_T0 = sum_valid / jnp.maximum(countf, 1.0)
    mean_diffs = sum_diffs / jnp.maximum(countf - 1.0, 1.0)
    jitter_tensor = jnp.where(
        count >= 2, mean_diffs / (mean_T0 + 1e-08), 0.0
    ).astype(jnp.float32)
    shimmer_tensor = jnp.zeros_like(jitter_tensor)
    hnr_tensor = jnp.zeros_like(jitter_tensor)
    return jnp.stack([jitter_tensor, shimmer_tensor, hnr_tensor], axis=-1)

if __name__ == "__main__":
    import jax
    _d = setup_inputs()
    print(jax.jit(kernel)(*tuple(_d.values())))

</pallas_src>

<mosaic_0001>
#map = affine_map<(d0, d1) -> (0, 0)>
module attributes {stable_mosaic.version = 14 : i64} {
  func.func @_jitter_body(%arg0: i32, %arg1: i32, %arg2: memref<16x2048xf32, #tpu.memory_space<hbm>>, %arg3: memref<16x16xf32, #tpu.memory_space<hbm>>, %arg4: memref<2048xf32, #tpu.memory_space<vmem>>, %arg5: memref<16xf32, #tpu.memory_space<vmem>>) attributes {dimension_semantics = [#tpu.dimension_semantics<core_parallel>, #tpu.dimension_semantics<subcore_parallel>], iteration_bounds = array<i64: 1, 16>, scalar_prefetch = 0 : i64, scratch_operands = 2 : i64, tpu.core_type = #tpu.core_type<sc_vector_subcore>, window_params = [{transform_indices = #map}, {transform_indices = #map}]} {
    "tpu.region"() ({
      %run_scoped3A = tpu.sem_alloc : memref<!tpu.dma_semaphore, #tpu.memory_space<semaphore_mem>>
      %dma_start3A = arith.constant 0 : i32
      %dma_start3A_110 = tpu.memref_slice %arg2[%arg1, %dma_start3A] : memref<16x2048xf32, #tpu.memory_space<hbm>> -> memref<1x2048xf32, #tpu.memory_space<hbm>>
      %dma_start3A_111 = tpu.memref_squeeze %dma_start3A_110 : memref<1x2048xf32, #tpu.memory_space<hbm>> -> memref<2048xf32, #tpu.memory_space<hbm>>
      %dma_start3A_112 = arith.constant 0 : i32
      %dma_start3A_113 = tpu.memref_slice %arg2[%arg1, %dma_start3A_112] : memref<16x2048xf32, #tpu.memory_space<hbm>> -> memref<1x2048xf32, #tpu.memory_space<hbm>>
      %dma_start3A_114 = tpu.memref_squeeze %dma_start3A_113 : memref<1x2048xf32, #tpu.memory_space<hbm>> -> memref<2048xf32, #tpu.memory_space<hbm>>
      tpu.enqueue_dma source(%dma_start3A_114 : memref<2048xf32, #tpu.memory_space<hbm>>) target(%arg4 : memref<2048xf32, #tpu.memory_space<vmem>>) target_semaphore(%run_scoped3A : memref<!tpu.dma_semaphore, #tpu.memory_space<semaphore_mem>>)
      %dma_wait3A = arith.constant 0 : i32
      %dma_wait3A_115 = tpu.memref_slice %arg2[%arg1, %dma_wait3A] : memref<16x2048xf32, #tpu.memory_space<hbm>> -> memref<1x2048xf32, #tpu.memory_space<hbm>>
      %dma_wait3A_116 = tpu.memref_squeeze %dma_wait3A_115 : memref<1x2048xf32, #tpu.memory_space<hbm>> -> memref<2048xf32, #tpu.memory_space<hbm>>
      %dma_wait3A_117 = arith.constant 0 : i32
      %dma_wait3A_118 = tpu.memref_slice %arg2[%arg1, %dma_wait3A_117] : memref<16x2048xf32, #tpu.memory_space<hbm>> -> memref<1x2048xf32, #tpu.memory_space<hbm>>
      %dma_wait3A_119 = tpu.memref_squeeze %dma_wait3A_118 : memref<1x2048xf32, #tpu.memory_space<hbm>> -> memref<2048xf32, #tpu.memory_space<hbm>>
      tpu.wait_dma2 semaphore(%run_scoped3A : memref<!tpu.dma_semaphore, #tpu.memory_space<semaphore_mem>>) src(%dma_wait3A_119 : memref<2048xf32, #tpu.memory_space<hbm>>) dst(%arg4 : memref<2048xf32, #tpu.memory_space<vmem>>)
      tpu.yield
    }) : () -> ()
    %iota3A = tpu.iota {dimensions = array<i32: 0>} : vector<16xi32>
    %broadcast_in_dim3A = arith.constant 0 : i32
    %broadcast_in_dim3A_0 = vector.broadcast %broadcast_in_dim3A : i32 to vector<16xi32>
    %broadcast_in_dim3A_1 = arith.constant 0.000000e+00 : f32
    %broadcast_in_dim3A_2 = vector.broadcast %broadcast_in_dim3A_1 : f32 to vector<16xf32>
    %broadcast_in_dim3A_3 = arith.constant 0.000000e+00 : f32
    %broadcast_in_dim3A_4 = vector.broadcast %broadcast_in_dim3A_3 : f32 to vector<16xf32>
    %broadcast_in_dim3A_5 = arith.constant 0.000000e+00 : f32
    %broadcast_in_dim3A_6 = vector.broadcast %broadcast_in_dim3A_5 : f32 to vector<16xf32>
    %scan3A = arith.constant 0 : i32
    %scan3A_7 = arith.constant 128 : i32
    %scan3A_8 = arith.addi %scan3A, %scan3A_7 : i32
    %scan3A_9 = arith.constant 2 : i32
    %scan3A_10:4 = scf.for %scan3A_110 = %scan3A to %scan3A_8 step %scan3A_9 iter_args(%scan3A_111 = %broadcast_in_dim3A_0, %scan3A_112 = %broadcast_in_dim3A_2, %scan3A_113 = %broadcast_in_dim3A_4, %scan3A_114 = %broadcast_in_dim3A_6) -> (vector<16xi32>, vector<16xf32>, vector<16xf32>, vector<16xf32>)  : i32 {
      %mul3A = arith.constant 16 : i32
      %mul3A_115 = arith.muli %scan3A_110, %mul3A : i32
      %get3A = arith.index_cast %mul3A_115 : i32 to index
      %get3A_116 = tpu.vector_load %arg4[%get3A] {strides = array<i32>} : memref<2048xf32, #tpu.memory_space<vmem>>, vector<16xf32>,
      %gt3A = arith.constant 0.000000e+00 : f32
      %gt3A_117 = vector.broadcast %gt3A : f32 to vector<16xf32>
      %gt3A_118 = arith.cmpf ogt, %get3A_116, %gt3A_117 : vector<16xf32>
      %add3A_119 = arith.constant 9.99999974E-6 : f32
      %add3A_120 = vector.broadcast %add3A_119 : f32 to vector<16xf32>
      %add3A_121 = arith.addf %get3A_116, %add3A_120 : vector<16xf32>
      %div3A_122 = arith.constant 1.000000e+00 : f32
      %div3A_123 = vector.broadcast %div3A_122 : f32 to vector<16xf32>
      %div3A_124 = arith.divf %div3A_123, %add3A_121 : vector<16xf32>
      %jit3A_125 = arith.constant 0.000000e+00 : f32
      %broadcast_in_dim3A_126 = vector.broadcast %jit3A_125 : f32 to vector<16xf32>
      %select_n3A_127 = arith.select %gt3A_118, %div3A_124, %broadcast_in_dim3A_126 : vector<16xi1>, vector<16xf32>
      %add3A_128 = arith.addf %scan3A_112, %select_n3A_127 : vector<16xf32>
      %add3A_129 = arith.constant 16 : i32
      %add3A_130 = vector.broadcast %add3A_129 : i32 to vector<16xi32>
      %add3A_131 = arith.addi %add3A_130, %iota3A : vector<16xi32>
      %select_n3A_132 = arith.select %gt3A_118, %iota3A, %add3A_131 : vector<16xi1>, vector<16xi32>
      %masked_sort3A = arith.constant dense<true> : vector<16xi1>
      %masked_sort3A_133 = arith.constant -2147483648 : i32
      %masked_sort3A_134 = vector.broadcast %masked_sort3A_133 : i32 to vector<16xi32>
      %masked_sort3A_135 = arith.xori %select_n3A_132, %masked_sort3A_134 : vector<16xi32>
      %masked_sort3A_136, %masked_sort3A_137, %masked_sort3A_138 = tpu.sort %masked_sort3A_135, %div3A_124 masked %masked_sort3A : (vector<16xi32>, vector<16xf32>, vector<16xi1>) -> (vector<16xi1>, vector<16xi32>, vector<16xf32>)
      %masked_sort3A_139 = arith.xori %masked_sort3A_137, %masked_sort3A_134 : vector<16xi32>
      %all_reduce_population_count3A = tpu.all_reduce %gt3A_118 {dim = 0 : i64, kind = #tpu.reduction_kind<sum>} : vector<16xi1> -> vector<16xi32>
      %sub3A_140 = arith.constant 1 : i32
      %sub3A_141 = vector.broadcast %sub3A_140 : i32 to vector<16xi32>
      %sub3A_142 = arith.subi %iota3A, %sub3A_141 : vector<16xi32>
      %max3A_143 = arith.constant 0 : i32
      %max3A_144 = vector.broadcast %max3A_143 : i32 to vector<16xi32>
      %max3A_145 = arith.maxsi %sub3A_142, %max3A_144 : vector<16xi32>
      %broadcast_in_dim3A_146 = vector.shape_cast %max3A_145 : vector<16xi32> to vector<16x1xi32>
      %gather3A_147 = vector.shape_cast %broadcast_in_dim3A_146 : vector<16x1xi32> to vector<16xi32>
      %gather3A_148 = tpu.dynamic_gather %masked_sort3A_138[%gather3A_147] in [0] : vector<16xf32>, vector<16xi32> -> vector<16xf32>
      %eq3A_149 = arith.constant 0 : i32
      %eq3A_150 = vector.broadcast %eq3A_149 : i32 to vector<16xi32>
      %eq3A_151 = arith.cmpi eq, %iota3A, %eq3A_150 : vector<16xi32>
      %select_n3A_152 = arith.select %eq3A_151, %scan3A_114, %gather3A_148 : vector<16xi1>, vector<16xf32>
      %lt3A = arith.cmpi slt, %iota3A, %all_reduce_population_count3A : vector<16xi32>
      %gt3A_153 = arith.constant 0 : i32
      %gt3A_154 = vector.broadcast %gt3A_153 : i32 to vector<16xi32>
      %gt3A_155 = arith.cmpi sgt, %iota3A, %gt3A_154 : vector<16xi32>
      %gt3A_156 = arith.constant 0 : i32
      %gt3A_157 = vector.broadcast %gt3A_156 : i32 to vector<16xi32>
      %gt3A_158 = arith.cmpi sgt, %scan3A_111, %gt3A_157 : vector<16xi32>
      %or3A = arith.ori %gt3A_155, %gt3A_158 : vector<16xi1>
      %and3A_159 = arith.andi %lt3A, %or3A : vector<16xi1>
      %sub3A_160 = arith.subf %masked_sort3A_138, %select_n3A_152 : vector<16xf32>
      %abs3A = math.absf %sub3A_160 : vector<16xf32>
      %jit3A_161 = arith.constant 0.000000e+00 : f32
      %broadcast_in_dim3A_162 = vector.broadcast %jit3A_161 : f32 to vector<16xf32>
      %select_n3A_163 = arith.select %and3A_159, %abs3A, %broadcast_in_dim3A_162 : vector<16xi1>, vector<16xf32>
      %add3A_164 = arith.addf %scan3A_113, %select_n3A_163 : vector<16xf32>
      %sub3A_165 = arith.constant 1 : i32
      %sub3A_166 = vector.broadcast %sub3A_165 : i32 to vector<16xi32>
      %sub3A_167 = arith.subi %all_reduce_population_count3A, %sub3A_166 : vector<16xi32>
      %max3A_168 = arith.constant 0 : i32
      %max3A_169 = vector.broadcast %max3A_168 : i32 to vector<16xi32>
      %max3A_170 = arith.maxsi %sub3A_167, %max3A_169 : vector<16xi32>
      %broadcast_in_dim3A_171 = vector.shape_cast %max3A_170 : vector<16xi32> to vector<16x1xi32>
      %gather3A_172 = vector.shape_cast %broadcast_in_dim3A_171 : vector<16x1xi32> to vector<16xi32>
      %gather3A_173 = tpu.dynamic_gather %masked_sort3A_138[%gather3A_172] in [0] : vector<16xf32>, vector<16xi32> -> vector<16xf32>
      %gt3A_174 = arith.constant 0 : i32
      %gt3A_175 = vector.broadcast %gt3A_174 : i32 to vector<16xi32>
      %gt3A_176 = arith.cmpi sgt, %all_reduce_population_count3A, %gt3A_175 : vector<16xi32>
      %select_n3A_177 = arith.select %gt3A_176, %gather3A_173, %scan3A_114 : vector<16xi1>, vector<16xf32>
      %add3A_178 = arith.addi %scan3A_111, %all_reduce_population_count3A : vector<16xi32>
      %scan3A_179 = arith.constant 1 : i32
      %scan3A_180 = arith.addi %scan3A_110, %scan3A_179 : i32
      %mul3A_181 = arith.constant 16 : i32
      %mul3A_182 = arith.muli %scan3A_180, %mul3A_181 : i32
      %get3A_183 = arith.index_cast %mul3A_182 : i32 to index
      %get3A_184 = tpu.vector_load %arg4[%get3A_183] {strides = array<i32>} : memref<2048xf32, #tpu.memory_space<vmem>>, vector<16xf32>,
      %gt3A_185 = arith.constant 0.000000e+00 : f32
      %gt3A_186 = vector.broadcast %gt3A_185 : f32 to vector<16xf32>
      %gt3A_187 = arith.cmpf ogt, %get3A_184, %gt3A_186 : vector<16xf32>
      %add3A_188 = arith.constant 9.99999974E-6 : f32
      %add3A_189 = vector.broadcast %add3A_188 : f32 to vector<16xf32>
      %add3A_190 = arith.addf %get3A_184, %add3A_189 : vector<16xf32>
      %div3A_191 = arith.constant 1.000000e+00 : f32
      %div3A_192 = vector.broadcast %div3A_191 : f32 to vector<16xf32>
      %div3A_193 = arith.divf %div3A_192, %add3A_190 : vector<16xf32>
      %jit3A_194 = arith.constant 0.000000e+00 : f32
      %broadcast_in_dim3A_195 = vector.broadcast %jit3A_194 : f32 to vector<16xf32>
      %select_n3A_196 = arith.select %gt3A_187, %div3A_193, %broadcast_in_dim3A_195 : vector<16xi1>, vector<16xf32>
      %add3A_197 = arith.addf %add3A_128, %select_n3A_196 : vector<16xf32>
      %add3A_198 = arith.constant 16 : i32
      %add3A_199 = vector.broadcast %add3A_198 : i32 to vector<16xi32>
      %add3A_200 = arith.addi %add3A_199, %iota3A : vector<16xi32>
      %select_n3A_201 = arith.select %gt3A_187, %iota3A, %add3A_200 : vector<16xi1>, vector<16xi32>
      %masked_sort3A_202 = arith.constant dense<true> : vector<16xi1>
      %masked_sort3A_203 = arith.constant -2147483648 : i32
      %masked_sort3A_204 = vector.broadcast %masked_sort3A_203 : i32 to vector<16xi32>
      %masked_sort3A_205 = arith.xori %select_n3A_201, %masked_sort3A_204 : vector<16xi32>
      %masked_sort3A_206, %masked_sort3A_207, %masked_sort3A_208 = tpu.sort %masked_sort3A_205, %div3A_193 masked %masked_sort3A_202 : (vector<16xi32>, vector<16xf32>, vector<16xi1>) -> (vector<16xi1>, vector<16xi32>, vector<16xf32>)
      %masked_sort3A_209 = arith.xori %masked_sort3A_207, %masked_sort3A_204 : vector<16xi32>
      %all_reduce_population_count3A_210 = tpu.all_reduce %gt3A_187 {dim = 0 : i64, kind = #tpu.reduction_kind<sum>} : vector<16xi1> -> vector<16xi32>
      %sub3A_211 = arith.constant 1 : i32
      %sub3A_212 = vector.broadcast %sub3A_211 : i32 to vector<16xi32>
      %sub3A_213 = arith.subi %iota3A, %sub3A_212 : vector<16xi32>
      %max3A_214 = arith.constant 0 : i32
      %max3A_215 = vector.broadcast %max3A_214 : i32 to vector<16xi32>
      %max3A_216 = arith.maxsi %sub3A_213, %max3A_215 : vector<16xi32>
      %broadcast_in_dim3A_217 = vector.shape_cast %max3A_216 : vector<16xi32> to vector<16x1xi32>
      %gather3A_218 = vector.shape_cast %broadcast_in_dim3A_217 : vector<16x1xi32> to vector<16xi32>
      %gather3A_219 = tpu.dynamic_gather %masked_sort3A_208[%gather3A_218] in [0] : vector<16xf32>, vector<16xi32> -> vector<16xf32>
      %eq3A_220 = arith.constant 0 : i32
      %eq3A_221 = vector.broadcast %eq3A_220 : i32 to vector<16xi32>
      %eq3A_222 = arith.cmpi eq, %iota3A, %eq3A_221 : vector<16xi32>
      %select_n3A_223 = arith.select %eq3A_222, %select_n3A_177, %gather3A_219 : vector<16xi1>, vector<16xf32>
      %lt3A_224 = arith.cmpi slt, %iota3A, %all_reduce_population_count3A_210 : vector<16xi32>
      %gt3A_225 = arith.constant 0 : i32
      %gt3A_226 = vector.broadcast %gt3A_225 : i32 to vector<16xi32>
      %gt3A_227 = arith.cmpi sgt, %iota3A, %gt3A_226 : vector<16xi32>
      %gt3A_228 = arith.constant 0 : i32
      %gt3A_229 = vector.broadcast %gt3A_228 : i32 to vector<16xi32>
      %gt3A_230 = arith.cmpi sgt, %add3A_178, %gt3A_229 : vector<16xi32>
      %or3A_231 = arith.ori %gt3A_227, %gt3A_230 : vector<16xi1>
      %and3A_232 = arith.andi %lt3A_224, %or3A_231 : vector<16xi1>
      %sub3A_233 = arith.subf %masked_sort3A_208, %select_n3A_223 : vector<16xf32>
      %abs3A_234 = math.absf %sub3A_233 : vector<16xf32>
      %jit3A_235 = arith.constant 0.000000e+00 : f32
      %broadcast_in_dim3A_236 = vector.broadcast %jit3A_235 : f32 to vector<16xf32>
      %select_n3A_237 = arith.select %and3A_232, %abs3A_234, %broadcast_in_dim3A_236 : vector<16xi1>, vector<16xf32>
      %add3A_238 = arith.addf %add3A_164, %select_n3A_237 : vector<16xf32>
      %sub3A_239 = arith.constant 1 : i32
      %sub3A_240 = vector.broadcast %sub3A_239 : i32 to vector<16xi32>
      %sub3A_241 = arith.subi %all_reduce_population_count3A_210, %sub3A_240 : vector<16xi32>
      %max3A_242 = arith.constant 0 : i32
      %max3A_243 = vector.broadcast %max3A_242 : i32 to vector<16xi32>
      %max3A_244 = arith.maxsi %sub3A_241, %max3A_243 : vector<16xi32>
      %broadcast_in_dim3A_245 = vector.shape_cast %max3A_244 : vector<16xi32> to vector<16x1xi32>
      %gather3A_246 = vector.shape_cast %broadcast_in_dim3A_245 : vector<16x1xi32> to vector<16xi32>
      %gather3A_247 = tpu.dynamic_gather %masked_sort3A_208[%gather3A_246] in [0] : vector<16xf32>, vector<16xi32> -> vector<16xf32>
      %gt3A_248 = arith.constant 0 : i32
      %gt3A_249 = vector.broadcast %gt3A_248 : i32 to vector<16xi32>
      %gt3A_250 = arith.cmpi sgt, %all_reduce_population_count3A_210, %gt3A_249 : vector<16xi32>
      %select_n3A_251 = arith.select %gt3A_250, %gather3A_247, %select_n3A_177 : vector<16xi1>, vector<16xf32>
      %add3A_252 = arith.addi %add3A_178, %all_reduce_population_count3A_210 : vector<16xi32>
      scf.yield %add3A_252, %add3A_197, %add3A_238, %select_n3A_251 : vector<16xi32>, vector<16xf32>, vector<16xf32>, vector<16xf32>
    }
    %scan3A_11 = arith.constant 128 : i32
    %add3A = arith.constant 1 : i32
    %add3A_12 = vector.broadcast %add3A : i32 to vector<16xi32>
    %add3A_13 = arith.addi %iota3A, %add3A_12 : vector<16xi32>
    %and3A = arith.constant 15 : i32
    %and3A_14 = vector.broadcast %and3A : i32 to vector<16xi32>
    %and3A_15 = arith.andi %add3A_13, %and3A_14 : vector<16xi32>
    %broadcast_in_dim3A_16 = vector.shape_cast %and3A_15 : vector<16xi32> to vector<16x1xi32>
    %gather3A = vector.shape_cast %broadcast_in_dim3A_16 : vector<16x1xi32> to vector<16xi32>
    %gather3A_17 = tpu.dynamic_gather %scan3A_10#1[%gather3A] in [0] : vector<16xf32>, vector<16xi32> -> vector<16xf32>
    %add3A_18 = arith.addf %scan3A_10#1, %gather3A_17 : vector<16xf32>
    %add3A_19 = arith.constant 2 : i32
    %add3A_20 = vector.broadcast %add3A_19 : i32 to vector<16xi32>
    %add3A_21 = arith.addi %iota3A, %add3A_20 : vector<16xi32>
    %and3A_22 = arith.constant 15 : i32
    %and3A_23 = vector.broadcast %and3A_22 : i32 to vector<16xi32>
    %and3A_24 = arith.andi %add3A_21, %and3A_23 : vector<16xi32>
    %broadcast_in_dim3A_25 = vector.shape_cast %and3A_24 : vector<16xi32> to vector<16x1xi32>
    %gather3A_26 = vector.shape_cast %broadcast_in_dim3A_25 : vector<16x1xi32> to vector<16xi32>
    %gather3A_27 = tpu.dynamic_gather %add3A_18[%gather3A_26] in [0] : vector<16xf32>, vector<16xi32> -> vector<16xf32>
    %add3A_28 = arith.addf %add3A_18, %gather3A_27 : vector<16xf32>
    %add3A_29 = arith.constant 4 : i32
    %add3A_30 = vector.broadcast %add3A_29 : i32 to vector<16xi32>
    %add3A_31 = arith.addi %iota3A, %add3A_30 : vector<16xi32>
    %and3A_32 = arith.constant 15 : i32
    %and3A_33 = vector.broadcast %and3A_32 : i32 to vector<16xi32>
    %and3A_34 = arith.andi %add3A_31, %and3A_33 : vector<16xi32>
    %broadcast_in_dim3A_35 = vector.shape_cast %and3A_34 : vector<16xi32> to vector<16x1xi32>
    %gather3A_36 = vector.shape_cast %broadcast_in_dim3A_35 : vector<16x1xi32> to vector<16xi32>
    %gather3A_37 = tpu.dynamic_gather %add3A_28[%gather3A_36] in [0] : vector<16xf32>, vector<16xi32> -> vector<16xf32>
    %add3A_38 = arith.addf %add3A_28, %gather3A_37 : vector<16xf32>
    %add3A_39 = arith.constant 8 : i32
    %add3A_40 = vector.broadcast %add3A_39 : i32 to vector<16xi32>
    %add3A_41 = arith.addi %iota3A, %add3A_40 : vector<16xi32>
    %and3A_42 = arith.constant 15 : i32
    %and3A_43 = vector.broadcast %and3A_42 : i32 to vector<16xi32>
    %and3A_44 = arith.andi %add3A_41, %and3A_43 : vector<16xi32>
    %broadcast_in_dim3A_45 = vector.shape_cast %and3A_44 : vector<16xi32> to vector<16x1xi32>
    %gather3A_46 = vector.shape_cast %broadcast_in_dim3A_45 : vector<16x1xi32> to vector<16xi32>
    %gather3A_47 = tpu.dynamic_gather %add3A_38[%gather3A_46] in [0] : vector<16xf32>, vector<16xi32> -> vector<16xf32>
    %add3A_48 = arith.addf %add3A_38, %gather3A_47 : vector<16xf32>
    %add3A_49 = arith.constant 1 : i32
    %add3A_50 = vector.broadcast %add3A_49 : i32 to vector<16xi32>
    %add3A_51 = arith.addi %iota3A, %add3A_50 : vector<16xi32>
    %and3A_52 = arith.constant 15 : i32
    %and3A_53 = vector.broadcast %and3A_52 : i32 to vector<16xi32>
    %and3A_54 = arith.andi %add3A_51, %and3A_53 : vector<16xi32>
    %broadcast_in_dim3A_55 = vector.shape_cast %and3A_54 : vector<16xi32> to vector<16x1xi32>
    %gather3A_56 = vector.shape_cast %broadcast_in_dim3A_55 : vector<16x1xi32> to vector<16xi32>
    %gather3A_57 = tpu.dynamic_gather %scan3A_10#2[%gather3A_56] in [0] : vector<16xf32>, vector<16xi32> -> vector<16xf32>
    %add3A_58 = arith.addf %scan3A_10#2, %gather3A_57 : vector<16xf32>
    %add3A_59 = arith.constant 2 : i32
    %add3A_60 = vector.broadcast %add3A_59 : i32 to vector<16xi32>
    %add3A_61 = arith.addi %iota3A, %add3A_60 : vector<16xi32>
    %and3A_62 = arith.constant 15 : i32
    %and3A_63 = vector.broadcast %and3A_62 : i32 to vector<16xi32>
    %and3A_64 = arith.andi %add3A_61, %and3A_63 : vector<16xi32>
    %broadcast_in_dim3A_65 = vector.shape_cast %and3A_64 : vector<16xi32> to vector<16x1xi32>
    %gather3A_66 = vector.shape_cast %broadcast_in_dim3A_65 : vector<16x1xi32> to vector<16xi32>
    %gather3A_67 = tpu.dynamic_gather %add3A_58[%gather3A_66] in [0] : vector<16xf32>, vector<16xi32> -> vector<16xf32>
    %add3A_68 = arith.addf %add3A_58, %gather3A_67 : vector<16xf32>
    %add3A_69 = arith.constant 4 : i32
    %add3A_70 = vector.broadcast %add3A_69 : i32 to vector<16xi32>
    %add3A_71 = arith.addi %iota3A, %add3A_70 : vector<16xi32>
    %and3A_72 = arith.constant 15 : i32
    %and3A_73 = vector.broadcast %and3A_72 : i32 to vector<16xi32>
    %and3A_74 = arith.andi %add3A_71, %and3A_73 : vector<16xi32>
    %broadcast_in_dim3A_75 = vector.shape_cast %and3A_74 : vector<16xi32> to vector<16x1xi32>
    %gather3A_76 = vector.shape_cast %broadcast_in_dim3A_75 : vector<16x1xi32> to vector<16xi32>
    %gather3A_77 = tpu.dynamic_gather %add3A_68[%gather3A_76] in [0] : vector<16xf32>, vector<16xi32> -> vector<16xf32>
    %add3A_78 = arith.addf %add3A_68, %gather3A_77 : vector<16xf32>
    %add3A_79 = arith.constant 8 : i32
    %add3A_80 = vector.broadcast %add3A_79 : i32 to vector<16xi32>
    %add3A_81 = arith.addi %iota3A, %add3A_80 : vector<16xi32>
    %and3A_82 = arith.constant 15 : i32
    %and3A_83 = vector.broadcast %and3A_82 : i32 to vector<16xi32>
    %and3A_84 = arith.andi %add3A_81, %and3A_83 : vector<16xi32>
    %broadcast_in_dim3A_85 = vector.shape_cast %and3A_84 : vector<16xi32> to vector<16x1xi32>
    %gather3A_86 = vector.shape_cast %broadcast_in_dim3A_85 : vector<16x1xi32> to vector<16xi32>
    %gather3A_87 = tpu.dynamic_gather %add3A_78[%gather3A_86] in [0] : vector<16xf32>, vector<16xi32> -> vector<16xf32>
    %add3A_88 = arith.addf %add3A_78, %gather3A_87 : vector<16xf32>
    %convert_element_type3A = arith.sitofp %scan3A_10#0 : vector<16xi32> to vector<16xf32>
    %max3A = arith.constant 1.000000e+00 : f32
    %max3A_89 = vector.broadcast %max3A : f32 to vector<16xf32>
    %max3A_90 = arith.maximumf %convert_element_type3A, %max3A_89 : vector<16xf32>
    %div3A = arith.divf %add3A_48, %max3A_90 : vector<16xf32>
    %sub3A = arith.constant 1.000000e+00 : f32
    %sub3A_91 = vector.broadcast %sub3A : f32 to vector<16xf32>
    %sub3A_92 = arith.subf %convert_element_type3A, %sub3A_91 : vector<16xf32>
    %max3A_93 = arith.constant 1.000000e+00 : f32
    %max3A_94 = vector.broadcast %max3A_93 : f32 to vector<16xf32>
    %max3A_95 = arith.maximumf %sub3A_92, %max3A_94 : vector<16xf32>
    %div3A_96 = arith.divf %add3A_88, %max3A_95 : vector<16xf32>
    %ge3A = arith.constant 2 : i32
    %ge3A_97 = vector.broadcast %ge3A : i32 to vector<16xi32>
    %ge3A_98 = arith.cmpi sge, %scan3A_10#0, %ge3A_97 : vector<16xi32>
    %add3A_99 = arith.constant 9.99999993E-9 : f32
    %add3A_100 = vector.broadcast %add3A_99 : f32 to vector<16xf32>
    %add3A_101 = arith.addf %div3A, %add3A_100 : vector<16xf32>
    %div3A_102 = arith.divf %div3A_96, %add3A_101 : vector<16xf32>
    %jit3A = arith.constant 0.000000e+00 : f32
    %broadcast_in_dim3A_103 = vector.broadcast %jit3A : f32 to vector<16xf32>
    %select_n3A = arith.select %ge3A_98, %div3A_102, %broadcast_in_dim3A_103 : vector<16xi1>, vector<16xf32>
    %eq3A = arith.constant 0 : i32
    %eq3A_104 = vector.broadcast %eq3A : i32 to vector<16xi32>
    %eq3A_105 = arith.cmpi eq, %iota3A, %eq3A_104 : vector<16xi32>
    %jit3A_106 = arith.constant 0.000000e+00 : f32
    %broadcast_in_dim3A_107 = vector.broadcast %jit3A_106 : f32 to vector<16xf32>
    %select_n3A_108 = arith.select %eq3A_105, %select_n3A, %broadcast_in_dim3A_107 : vector<16xi1>, vector<16xf32>
    %swap3A = arith.constant 0 : index
    %swap3A_109 = tpu.vector_load %arg5[%swap3A] {strides = array<i32>} : memref<16xf32, #tpu.memory_space<vmem>>, vector<16xf32>,
    tpu.vector_store %arg5[%swap3A], %select_n3A_108 {strides = array<i32>} : memref<16xf32, #tpu.memory_space<vmem>>, vector<16xf32>,
    "tpu.region"() ({
      %run_scoped3A = tpu.sem_alloc : memref<!tpu.dma_semaphore, #tpu.memory_space<semaphore_mem>>
      %dma_start3A = arith.constant 0 : i32
      %dma_start3A_110 = tpu.memref_slice %arg3[%arg1, %dma_start3A] : memref<16x16xf32, #tpu.memory_space<hbm>> -> memref<1x16xf32, #tpu.memory_space<hbm>>
      %dma_start3A_111 = tpu.memref_squeeze %dma_start3A_110 : memref<1x16xf32, #tpu.memory_space<hbm>> -> memref<16xf32, #tpu.memory_space<hbm>>
      %dma_start3A_112 = arith.constant 0 : i32
      %dma_start3A_113 = tpu.memref_slice %arg3[%arg1, %dma_start3A_112] : memref<16x16xf32, #tpu.memory_space<hbm>> -> memref<1x16xf32, #tpu.memory_space<hbm>>
      %dma_start3A_114 = tpu.memref_squeeze %dma_start3A_113 : memref<1x16xf32, #tpu.memory_space<hbm>> -> memref<16xf32, #tpu.memory_space<hbm>>
      tpu.enqueue_dma source(%arg5 : memref<16xf32, #tpu.memory_space<vmem>>) target(%dma_start3A_114 : memref<16xf32, #tpu.memory_space<hbm>>) target_semaphore(%run_scoped3A : memref<!tpu.dma_semaphore, #tpu.memory_space<semaphore_mem>>)
      %dma_wait3A = arith.constant 0 : i32
      %dma_wait3A_115 = tpu.memref_slice %arg3[%arg1, %dma_wait3A] : memref<16x16xf32, #tpu.memory_space<hbm>> -> memref<1x16xf32, #tpu.memory_space<hbm>>
      %dma_wait3A_116 = tpu.memref_squeeze %dma_wait3A_115 : memref<1x16xf32, #tpu.memory_space<hbm>> -> memref<16xf32, #tpu.memory_space<hbm>>
      %dma_wait3A_117 = arith.constant 0 : i32
      %dma_wait3A_118 = tpu.memref_slice %arg3[%arg1, %dma_wait3A_117] : memref<16x16xf32, #tpu.memory_space<hbm>> -> memref<1x16xf32, #tpu.memory_space<hbm>>
      %dma_wait3A_119 = tpu.memref_squeeze %dma_wait3A_118 : memref<1x16xf32, #tpu.memory_space<hbm>> -> memref<16xf32, #tpu.memory_space<hbm>>
      tpu.wait_dma2 semaphore(%run_scoped3A : memref<!tpu.dma_semaphore, #tpu.memory_space<semaphore_mem>>) src(%arg5 : memref<16xf32, #tpu.memory_space<vmem>>) dst(%dma_wait3A_119 : memref<16xf32, #tpu.memory_space<hbm>>)
      tpu.yield
    }) : () -> ()
    return
  }
}

</mosaic_0001>

<sc_bundles>
// kernel: kernel.3.cloned.1.call-start
scs
__scs_entry_jumppad:
0x0: {  	(pc) =	sbr.rel $0x88, $3  }
0x1: {  	(tag) =	ssettag $0x0;
	lr =	simm.s32 $0x1  }
0x2: {  	[smem:$0x3FA0] =	sst lr;
	_ =	strace $0xD0000000  }
0x3: {  	_ = 	snop  }
0x4: {  	_ = 	snop  }
0x5: {  	_ = 	snop  }
0x6: {  	_ = 	snop  }
0x7: {  	_ = 	snop  }
__scs_overlays_trampoline_lowered:
0x8: {  	[smem:$0x3FAF] =	sst s0  }
0x9: {  	[smem:$0x3FB0] =	sst s1  }
0xa: {  	[smem:$0x3FB1] =	sst s2  }
0xb: {  	[smem:$0x3FB2] =	sst s3  }
0xc: {  	[smem:$0x3FB3] =	sst s4  }
0xd: {  	[smem:$0x3FB4] =	sst s5  }
0xe: {  	[smem:$0x3FB5] =	sst s6  }
0xf: {  	[smem:$0x3FB6] =	sst s7  }
0x10: {  	[smem:$0x3FB7] =	sst s8  }
0x11: {  	[smem:$0x3FB8] =	sst s9;
	s0 =	simm.s32 @!p0 $0x0  }
0x12: {  	s1 =	sld [smem:$0x3F9E];
	s0 =	simm.s32 @p0 $0x1  }
0x13: {  	[smem:$0x3FB9] =	sst s0;
	s0 =	simm.s32 @!p1 $0x0  }
0x14: {  	s2 =	sld [smem:$0x3F9D];
	s0 =	simm.s32 @p1 $0x1  }
0x15: {  	[smem:$0x3FBA] =	sst s0;
	s0 =	simm.s32 @!p2 $0x0  }
0x16: {  	s3 =	sld [smem:$0x3FDB];
	s0 =	simm.s32 @p2 $0x1  }
0x17: {  	s4 =	simm.s32 $0x1BF5;
	[smem:$0x3FBC] =	sst s0  }
0x18: {  	s0 =	sld [smem:$0x3F9F];
	_ =	swait.ge [sflag:s4], $0x0  }
0x19: {  	s7 =	sld [smem:$0x3FA0]  }
0x1a: {  	s8 =	sadd.s32 $0xFFFFE003, lr  }
0x1b: {  	s9 =	sadd.s32 $0xFFFFFEF7, lr;
	s5 =	simm.s32 $0xFFFFFFFF;
	p2 =	slt.u32 s8, $0xFFFFF086  }
0x1c: {  	p1 =	slt.u32 s9, $0xF7A;
	s5 =	simm.s32 @!p2 $0x0  }
0x1d: {  	s5 =	simm.s32 @p1 $0x1;
	p0 =	seq.s32 s7, s2  }
0x1e: {  	s7 =	smul.u32 @!p0 $0xF7A, s2;
	p2 =	seq.s32 @!p0 s5, $0x0  }
0x1f: {  	s9 =	smul.u32 $0xF7A, s1;
	s8 =	simm.s32 @!p0 $0x1BF5;
	p2 =	por !p2, p0  }
0x20: {  	[sflag:s8] =	ssyncset.s32 @!p0 $0xFFFFF086;
	s6 =	sadd.s32 @!p0 s3, s7;
	s7 =	simm.s32 @!p0 $0x108  }
0x21: {  	s3 =	sadd.s32 s3, s9;
	s6 =	sadd.s32 @!p0 $0x88, s6;
	s7 =	simm.s32 @p2 $0x1082  }
0x22: {  	[simem:s7], [sflag:s8] =	dma.local @!p0 [hbm:s6], $0xF7A  }
0x23: {  	s9 =	sor.u32 $0xD0000000, s2;
	s6 =	simm.s32 $0x108;
	_ =	swait.ge @!p0 [sflag:s8], $0x0  }
0x24: {  	s3 =	sadd.s32 $0x88, s3;
	s6 =	simm.s32 @!p1 $0x1082;
	[sflag:s4] =	ssyncset.s32 $0xFFFFF086  }
0x25: {  	[simem:s6], [sflag:s4] =	dma.local [hbm:s3], $0xF7A  }
0x26: {  	[smem:$0x3FA0] =	sst s1;
	(tag) =	ssettag s2;
	_ =	strace s9  }
0x27: {  	s1 =	sld [smem:$0x3FB0]  }
0x28: {  	s2 =	sld [smem:$0x3FB1]  }
0x29: {  	s4 =	sld [smem:$0x3FB3]  }
0x2a: {  	p0 =	seq.s32 s5, $0x0;
	s5 =	sld [smem:$0x3FB4]  }
0x2b: {  	s6 =	sld [smem:$0x3FB5]  }
0x2c: {  	s7 =	sld [smem:$0x3FB6]  }
0x2d: {  	s3 =	simm.s32 $0x108;
	s8 =	sld [smem:$0x3FB7]  }
0x2e: {  	s3 =	simm.s32 @!p0 $0x1082;
	s9 =	sld [smem:$0x3FB8]  }
0x2f: {  	lr =	sadd.s32 s0, s3;
	s0 =	sld [smem:$0x3FAF]  }
0x30: {  	s3 =	sld [smem:$0x3FB2]  }
0x31: {  	[smem:$0x3FBB] =	sst s10  }
0x32: {  	s10 =	sld [smem:$0x3FB9];
	_ =	sdelay $0x3  }
0x33: {  	p0 =	seq.s32 s10, $0x1;
	s10 =	sld [smem:$0x3FBB];
	_ =	sdelay $0x3  }
0x34: {  	[smem:$0x3FBB] =	sst s10  }
0x35: {  	s10 =	sld [smem:$0x3FBA];
	_ =	sdelay $0x3  }
0x36: {  	p1 =	seq.s32 s10, $0x1;
	s10 =	sld [smem:$0x3FBB];
	_ =	sdelay $0x3  }
0x37: {  	[smem:$0x3FBB] =	sst s10  }
0x38: {  	s10 =	sld [smem:$0x3FBC]  }
0x39: {  	_ = 	snop;
	(pc) =	sbr.ind lr, $3  }
0x3a: {  	_ = 	snop  }
0x3b: {  	_ = 	snop  }
0x3c: {  	p2 =	seq.s32 s10, $0x1;
	s10 =	sld [smem:$0x3FBB]  }
0x3d: {  	_ =	shalt  }
0x3e: {  	_ =	shalt  }
0x3f: {  	_ =	shalt  }
0x40: {  	_ =	shalt  }
0x41: {  	_ =	shalt  }
0x42: {  	_ =	shalt  }
0x43: {  	_ =	shalt  }
0x44: {  	_ =	shalt  }
0x45: {  	_ =	shalt  }
0x46: {  	_ =	shalt  }
0x47: {  	_ =	shalt  }
0x48: {  	_ =	shalt  }
0x49: {  	_ =	shalt  }
0x4a: {  	_ =	shalt  }
0x4b: {  	_ =	shalt  }
0x4c: {  	_ =	shalt  }
0x4d: {  	_ =	shalt  }
0x4e: {  	_ =	shalt  }
0x4f: {  	_ =	shalt  }
0x50: {  	_ =	shalt  }
0x51: {  	_ =	shalt  }
0x52: {  	_ =	shalt  }
0x53: {  	_ =	shalt  }
0x54: {  	_ =	shalt  }
0x55: {  	_ =	shalt  }
0x56: {  	_ =	shalt  }
0x57: {  	_ =	shalt  }
0x58: {  	_ =	shalt  }
0x59: {  	_ =	shalt  }
0x5a: {  	_ =	shalt  }
0x5b: {  	_ =	shalt  }
0x5c: {  	_ =	shalt  }
0x5d: {  	_ =	shalt  }
0x5e: {  	_ =	shalt  }
0x5f: {  	_ =	shalt  }
0x60: {  	_ =	shalt  }
0x61: {  	_ =	shalt  }
0x62: {  	_ =	shalt  }
0x63: {  	_ =	shalt  }
0x64: {  	_ =	shalt  }
0x65: {  	_ =	shalt  }
0x66: {  	_ =	shalt  }
0x67: {  	_ =	shalt  }
0x68: {  	_ =	shalt  }
0x69: {  	_ =	shalt  }
0x6a: {  	_ =	shalt  }
0x6b: {  	_ =	shalt  }
0x6c: {  	_ =	shalt  }
0x6d: {  	_ =	shalt  }
0x6e: {  	_ =	shalt  }
0x6f: {  	_ =	shalt  }
0x70: {  	_ =	shalt  }
0x71: {  	_ =	shalt  }
0x72: {  	_ =	shalt  }
0x73: {  	_ =	shalt  }
0x74: {  	_ =	shalt  }
0x75: {  	_ =	shalt  }
0x76: {  	_ =	shalt  }
0x77: {  	_ =	shalt  }
0x78: {  	_ =	shalt  }
0x79: {  	_ =	shalt  }
0x7a: {  	_ =	shalt  }
0x7b: {  	_ =	shalt  }
0x7c: {  	_ =	shalt  }
0x7d: {  	_ =	shalt  }
0x7e: {  	_ =	shalt  }
0x7f: {  	_ =	shalt  }
0x80: {  	_ =	shalt  }
0x81: {  	_ =	shalt  }
0x82: {  	_ =	shalt  }
0x83: {  	_ =	shalt  }
0x84: {  	_ =	shalt  }
0x85: {  	_ =	shalt  }
0x86: {  	_ =	shalt  }
0x87: {  	_ =	shalt  }
.Lfunc_end0:
.L_simem_size_0:
called_computation_lowered:
.L_overlay_start_0:
0x88: {  	s0 =	sld [smem:$0x3FD9]  }
0x89: {  	s1 =	sld [smem:$0x3FFE];
	_ =	sdelay $0x3  }
0x8a: {  	s0 =	sadd.s32 s1, s0  }
0x8b: {  	[smem:$0x3FC7] =	sst s0  }
0x8c: {  	_ = 	snop  }
0x8d: {  	s0 =	sld [smem:$0x3FC9];
	(tm) =	ssettm $0x1  }
0x8e: {  	s16 =	sld [smem:$0x3FFB];
	_ =	sdelay $0x3  }
0x8f: {  	_ =	strace s16  }
0x90: {  	s1 =	sld [smem:$0x3FFC];
	_ =	sdelay $0x3  }
0x91: {  	_ =	strace s1  }
0x92: {  	s1 =	sld [smem:$0x3FFD];
	_ =	sdelay $0x3  }
0x93: {  	_ =	strace s1  }
0x94: {  	_ =	strace $0x8FFFFFFF  }
0x95: {  	s17 =	sld [smem:$0x3FDB];
	_ =	sdelay $0x1  }
0x96: {  	s2 =	simm.s32 $_scs_section_size  }
0x97: {  	s3 =	simm.s32 $_size__tile_overlayer_lowered;
	s4 =	simm.s32 $_tile_overlayer_lowered  }
0x98: {  	s20 =	simm.s32 $0x1BFF;
	s19 =	sshll.u32 s4, $0x1;
	s1 =	sadd.s32 s2, s17  }
0x99: {  	s5 =	simm.s32 $0x0;
	s18 =	sshll.u32 s3, $0x1;
	s3 =	sadd.s32 s19, s1  }
0x9a: {  	[timem:s5], [sflag:s20] =	dma.local [hbm:s3], s18  }
0x9b: {  	_ =	swait.ge [sflag:s20], s18  }
0x9c: {  	s2 =	ssub.s32 $0x0, s18;
	[sflag:s20] =	ssyncset.done $0x0  }
0x9d: {  	[sflag:s20] =	ssyncadd.s32 s2;
	_ =	sdelay $0x1  }
0x9e: {  	s21 =	simm.s32 $0x1B8B  }
0x9f: {  	_ =	swait.ge [sflag:s21], $0x1  }
0xa0: {  	[sflag:s21] =	ssyncset.done $0x0  }
0xa1: {  	s23 =	simm.s32 $0x1B8E;
	s22 =	sld [smem:$0x3FFE];
	[sflag:s21] =	ssyncadd.s32 $0xFFFFFFFF  }
0xa2: {  	s24 =	simm.s32 $execute0_lowered;
	[smem:$0x3FD2] =	sst s23  }
0xa3: {  	s3 =	sshll.u32 s24, $0x1;
	_ =	strace $0x80000046;
	[dreg:$0x1] =	wrdreg $0xFFFFFFFF  }
0xa4: {  	s25 =	simm.s32 $_size_execute0_lowered;
	s1 =	sadd.s32 s1, s3;
	[dreg:$0x0] =	wrdreg $0x0  }
0xa5: {  	s3 =	sshll.u32 s25, $0x1;
	[dreg:$0x2] =	wrdreg s1  }
0xa6: {  	[dreg:$0x3] =	wrdreg s3  }
0xa7: {  	[dreg:$0x4] =	wrdreg $0xC0  }
0xa8: {  	_ =	task [dreg:s5], $0x5FFFF  }
0xa9: {  	[dreg:$0x1] =	wrdreg $0xFFFFFFFF  }
0xaa: {  	[dreg:$0x0] =	wrdreg $0x60  }
0xab: {  	[dreg:$0x2] =	wrdreg s0  }
0xac: {  	[dreg:$0x3] =	wrdreg s22  }
0xad: {  	[dreg:$0x4] =	wrdreg $0x9  }
0xae: {  	_ =	task.clear_ibuf [dreg:s5], $0x5FFFF;
	_ =	strace $0x90000046  }
0xaf: {  	s26 =	simm.s32 $0x9;
	_ =	strace $0x80000048  }
0xb0: {  	_ =	swait.ge [sflag:s26], $0x1  }
0xb1: {  	[sflag:s26] =	ssyncadd.s32 $0xFFFFFFFF  }
0xb2: {  	_ =	strace $0x90000048  }
0xb3: {  	_ =	sfence  }
0xb4: {  	s28 =	sld [smem:$0x0];
	_ =	sdelay $0x1  }
0xb5: {  	s29 =	srdreg.scid  }
0xb6: {  	s30 =	sshll.u32 s29, $0xD;
	s31 =	sshrl.u32 s29, $0x2  }
0xb7: {  	s2 =	sand.u32 $0x4000, s30;
	s1 =	sand.u32 $0x1, s29;
	s0 =	sadd.s32 s31, s28  }
0xb8: {  	s1 =	sor.u32 s2, s1;
	s0 =	sshll.u32 s0, $0x11  }
0xb9: {  	s0 =	sor.u32 s0, s1  }
0xba: {  	s0 =	sadd.s32 $0x8F2B, s0  }
0xbb: {  	[sflag:s0] =	ssyncadd.remote.s32 $0x1  }
0xbc: {  	_ =	sfence.sel $0xFFFF  }
0xbd: {  	[dreg:$0x0] =	wrdreg $0xFFFFFFFF;
	(pc) =	sbr.abs _section_cstart, $3  }
0xbe: {  	[dreg:$0x1] =	wrdreg $0xFFFFFFFF  }
0xbf: {  	_ =	task.clear_ibuf [dreg:s5], $0x2FFFF;
	_ =	strace $0x9FFFFFFF  }
0xc0: {  	(tm) =	ssettm $0x7FFFFFFF  }
0xc1: {  	_ =	shalt  }
tec
execute0_lowered:
.L_overlay_start_1:
0x0: {  	(tag) =	ssettag $0x1  }
0x1: {  	s5 =	rddreg [dreg:$0x0];
	s1 =	stileid.u32  }
0x2: {  	s4 =	rddreg [dreg:$0x1];
	s2 =	sshrl.u32 s1, $0x3;
	s3 =	sshll.u32 s1, $0x7  }
0x3: {  	s0 =	rddreg [dreg:$0x2];
	s3 =	sand.u32 $0x380, s3;
	s7 =	sshll.u32 s2, $0xE  }
0x4: {  	s6 =	simm.s32 $0x0;
	s28 =	simm.s32 $0x80;
	s7 =	sor.u32 s3, s7  }
0x5: {  	s8 =	simm.s32 $0x400;
	[smem:$0x7FF] =	sst s6;
	s7 =	sshrl.u32 s7, $0x3  }
0x6: {  	s29 =	simm.s32 $0x1;
	_ =	strace $0x80000047;
	s5 =	sadd.s32 s5, s7  }
0x7: {  	[tilespmem:s6], [sflag:$0x1] =	stream.strided.gather [hbm4b:s5+s28], $0x800, s8, s28, $0x38;
	[tilespmem:$0x880] =	vst v63  }
0x8: {  	_ =	swait.ge [sflag:s29], $0x800  }
0x9: {  	[sflag:s29] =	ssyncset.done $0x0  }
0xa: {  	s30 =	simm.s32 $0x10;
	[sflag:s29] =	ssyncadd.s32 $0xFFFFF800  }
0xb: {  	v1 =	vld [tilespmem:s30+$0xFFFFFFF0];
	_ =	sdelay $0x4  }
0xc: {  	v0 =	vadd.f32 $9.999999740e-06, v1;
	_ =	sdelay $0x1  }
0xd: {  	(erf) = vrcp.f32 v0;
	_ =	sdelay $0x4  }
0xe: {  	v2 =	vld [tilespmem:s30+$0x0]  }
0xf: {  	v3 =	vimm.s32 $0xEDCBA987  }
0x10: {  	v3 =	vunpack.c.l.s4.s8 v3;
	v0 =	vlaneseq.u32  }
0x11: {  	vm2 =	vgt.f32 v1, $0.0e+00;
	v6 =	vor.u32 $0x80000010, v0;
	v8 =	vor.u32 $0x80000000, v0  }
0x12: {  	v1 =	vunpack.c.0.s8.s32 v3;
	v3 =	vsel vm2, v8, v6;
	v12 =	vpop (erf)  }
0x13: {  	v5 =	vimm.s32 $0x65432100;
	v4 =	vadd.f32 $9.999999740e-06, v2;
	(xrf1) =	vsort.ascd.msk.u32 $0xffff, v3, v12  }
0x14: {  	s31 =	simm.s32 $0x30;
	v5 =	vunpack.c.l.s4.s8 v5  }
0x15: {  	v14 =	vld [tilespmem:s31+$0xFFFFFFF0];
	(erf) = vrcp.f32 v4  }
0x16: {  	v5 =	vunpack.c.0.s8.s32 v5;
	vm3 =	vgt.f32 v2, $0.0e+00  }
0x17: {  	v10 =	vmpcnt.ones.xlane vm2;
	v1 =	vand.u32 $0xF, v1;
	v4 =	vmpcnt.ones.xlane vm3  }
0x18: {  	v11 =	vimm.s32 $0x0;
	v2 =	vcombine.low v5, v1;
	v1 =	vld [tilespmem:s31+$0x0]  }
0x19: {  	vm1 =	vcmask $0x3F04;
	v5 =	vadd.s32 $0xFFFFFFFF, v10;
	v3 =	vadd.s32 $0xFFFFFFFF, v4  }
0x1a: {  	v19 =	vadd.f32 $9.999999740e-06, v14;
	vm4 =	vgt.s32 v5, $0x0;
	vm5 =	vgt.s32 v3, $0x0  }
0x1b: {  	v15 =	vnsel vm4, $0x0, v5;
	v9 =	vnsel vm5, $0x0, v3;
	v3 =	vadd.s32 v11, v10  }
0x1c: {  	vm4 =	vgt.s32 v3, $0x0;
	v7 =	vadd.s32 v3, v4;
	v3 =	vnsel vm2, $0x0, v12  }
0x1d: {  	vm2 =	vmor vm4, vm1;
	vm4 =	vgt.f32 v1, $0.0e+00;
	v1 =	vadd.f32 $9.999999740e-06, v1  }
0x1e: {  	v13 =	vimm.f32 $0.0e+00;
	v18 =	vpop (erf);
	(erf) = vrcp.f32 v19  }
0x1f: {  	vm5 =	vmmov vm3;
	vm3 =	vgt.f32 v14, $0.0e+00;
	(erf) = vrcp.f32 v1  }
0x20: {  	v5 =	vmpcnt.ones.xlane vm3;
	v20 =	vsel vm5, v8, v6;
	v12 =	vadd.f32 v3, v13  }
0x21: {  	v16 =	vnsel vm5, $0x0, v18;
	v3 =	vmpcnt.ones.xlane vm4;
	_, v19, _ =	vpop (xrf1);
	(xrf1) =	vsort.ascd.msk.u32 $0xffff, v20, v18  }
0x22: {  	vm0 =	vmmov $0x1;
	v14 =	vadd.f32 v16, v12;
	v12 =	vadd.s32 $0xFFFFFFFF, v5  }
0x23: {  	v17 =	vsel vm3, v8, v6;
	v16 =	vadd.s32 $0xFFFFFFFF, v3;
	vm6 =	vgt.s32 v12, $0x0  }
0x24: {  	v1 =	vadd.s32 v7, v5;
	v12 =	vnsel vm6, $0x0, v12;
	vm5 =	vgt.s32 v16, $0x0  }
0x25: {  	vm6 =	vgt.s32 v1, $0x0;
	v1 =	vadd.s32 v1, v3;
	v16 =	vnsel vm5, $0x0, v16  }
0x26: {  	s4 =	sadd.s32 $0x400, s4;
	s5 =	simm.s32 $0x2;
	s6 =	simm.s32 $0x50;
	v20 =	vperm.xlane v19, v2;
	v18 =	vperm.xlane v19, v15;
	v15 =	vimm.f32 $0.0e+00  }
.LBB2_1:
0x27: {  	v21 =	vld [tilespmem:s6+$0x0];
	s5 =	sadd.s32 $0x2, s5;
	v22 =	vpop (erf);
	vm5 =	vmmov vm2;
	vm2 =	vmor vm6, vm1;
	vm6 =	vmmov vm4  }
0x28: {  	v23 =	vld [tilespmem:s6+$0xFFFFFFF0];
	p0 =	slt.u32 s5, $0x7E;
	v24 =	vnsel vm3, $0x0, v22;
	(xrf1) =	vsort.ascd.msk.u32 $0xffff, v17, v22;
	v22 =	vpop (erf);
	v17 =	vsel vm0, v13, v20;
	vm3 =	vgt.s32 v11, $0x0  }
0x29: {  	v11 =	vmovc v7;
	v7 =	vmovc v1;
	v14 =	vadd.f32 v24, v14;
	v20 =	vnsel vm6, $0x0, v22;
	v17 =	vsub.f32 v19, v17  }
0x2a: {  	vm4 =	vgt.s32 v10, v0;
	vm3 =	vmor vm3, vm1  }
0x2b: {  	vm3 =	vmand vm3, vm4;
	v14 =	vadd.f32 v20, v14;
	v17 =	vand.u32 $0x7FFFFFFF, v17  }
0x2c: {  	vm4 =	vgt.f32 v21, $0.0e+00;
	v19 =	vadd.f32 $9.999999740e-06, v21;
	v20 =	vnsel vm3, $0x0, v17  }
0x2d: {  	vm3 =	vgt.f32 v23, $0.0e+00;
	v26 =	vadd.f32 $9.999999740e-06, v23;
	v23 =	vmpcnt.ones.xlane vm4  }
0x2e: {  	vm7 =	vgt.s32 v4, v0;
	v17 =	vsel vm3, v8, v6;
	v24 =	vmpcnt.ones.xlane vm3  }
0x2f: {  	vm8 =	vgt.s32 v10, $0x0;
	v25 =	vadd.s32 $0xFFFFFFFF, v23;
	(erf) = vrcp.f32 v26;
	_, v21, _ =	vpop (xrf1)  }
0x30: {  	v10 =	vmovc v5;
	v26 =	vadd.s32 $0xFFFFFFFF, v24;
	(erf) = vrcp.f32 v19;
	v19 =	vperm.xlane v21, v2;
	v5 =	vmovc v24  }
0x31: {  	v13 =	vsel vm8, v18, v13;
	v24 =	vsel vm6, v8, v6;
	vm9 =	vgt.s32 v26, $0x0  }
0x32: {  	vm6 =	vgt.s32 v25, $0x0;
	v26 =	vnsel vm9, $0x0, v26;
	(xrf1) =	vsort.ascd.msk.u32 $0xffff, v24, v22;
	v18 =	vsel vm0, v13, v19  }
.Ltmp0:
0x33: {  	v18 =	vsub.f32 v21, v18;
	v21 =	vperm.xlane v21, v9;
	v9 =	vmovc v16;
	v16 =	vnsel vm6, $0x0, v25;
	(pc) =	sbr.rel @p0 .LBB2_1-.Ltmp0, $4  }
0x34: {  	vm5 =	vmand vm5, vm7;
	v1 =	vadd.s32 v1, v5;
	vm6 =	vgt.s32 v4, $0x0;
	v4 =	vmovc v3;
	v3 =	vmovc v23  }
0x35: {  	v15 =	vadd.f32 v20, v15;
	v18 =	vand.u32 $0x7FFFFFFF, v18;
	v13 =	vsel vm6, v21, v13  }
0x36: {  	vm6 =	vgt.s32 v1, $0x0;
	v1 =	vadd.s32 v1, v3;
	_, v19, _ =	vpop (xrf1);
	v21 =	vnsel vm5, $0x0, v18  }
0x37: {  	s6 =	sadd.s32 $0x20, s6;
	v20 =	vperm.xlane v19, v2;
	v18 =	vperm.xlane v19, v12;
	v15 =	vadd.f32 v21, v15;
	v12 =	vmovc v26  }
0x38: {  	vm5 =	vmmov vm4  }
0x39: {  	vm4 =	vmor vm6, vm1;
	vm2 =	vmmov vm2;
	vm12 =	vgt.s32 v11, $0x0  }
0x3a: {  	vm13 =	vgt.s32 v10, v0;
	vm14 =	vgt.s32 v10, $0x0;
	vm15 =	vgt.s32 v4, v0  }
0x3b: {  	vm8 =	vgt.s32 v4, $0x0;
	vm9 =	vgt.s32 v7, $0x0;
	vm10 =	vgt.s32 v5, v0  }
0x3c: {  	v16 =	vpop (erf);
	v33 =	vimm.s32 $0xFEDCBA9;
	v34 =	vimm.s32 $0x87654321;
	v37 =	vimm.s32 $0x10FEDCBA  }
0x3d: {  	v38 =	vimm.s32 $0x98765432;
	v40 =	vimm.s32 $0x3210FEDC;
	(xrf1) =	vsort.ascd.msk.u32 $0xffff, v17, v16;
	v24 =	vpop (erf);
	v6 =	vsel vm5, v8, v6  }
0x3e: {  	v41 =	vimm.s32 $0xBA987654;
	v48 =	vcvt.s32.f32 v1;
	v50 =	vimm.s32 $0xFEDCBA98;
	(xrf1) =	vsort.ascd.msk.u32 $0xffff, v6, v24  }
0x3f: {  	v51 =	vimm.s32 $0x76543210;
	v25 =	vnsel vm3, $0x0, v16;
	v26 =	vsel vm0, v13, v20  }
0x40: {  	vm3 =	vmor vm12, vm1;
	v30 =	vsel vm14, v18, v13;
	vm2 =	vmand vm2, vm15  }
0x41: {  	vm11 =	vmor vm9, vm1;
	v7 =	vunpack.c.l.s4.s8 v33;
	v11 =	vunpack.c.l.s4.s8 v34  }
0x42: {  	vm12 =	vmmov vm4;
	vm14 =	vgt.s32 v3, v0;
	v53 =	vunpack.c.l.s4.s8 v51  }
0x43: {  	v6 =	vadd.f32 v25, v14;
	v28 =	vnsel vm5, $0x0, v24;
	v8 =	vsub.f32 v19, v26  }
0x44: {  	vm3 =	vmand vm3, vm13;
	v7 =	vunpack.c.0.s8.s32 v7;
	v11 =	vunpack.c.0.s8.s32 v11  }
0x45: {  	vm1 =	vmand vm11, vm10;
	vm13 =	vgt.s32 v5, $0x0;
	v52 =	vmax.f32 v48, $1.000000000e+00  }
0x46: {  	v5 =	vunpack.c.l.s4.s8 v37;
	(erf) = vrcp.f32 v52;
	v7 =	vcombine.low v11, v7  }
0x47: {  	v6 =	vadd.f32 v28, v6;
	v8 =	vand.u32 $0x7FFFFFFF, v8;
	v11 =	vunpack.c.l.s4.s8 v38  }
0x48: {  	v5 =	vunpack.c.0.s8.s32 v5;
	v8 =	vnsel vm3, $0x0, v8;
	v7 =	vand.u32 $0xF, v7  }
0x49: {  	v39 =	vunpack.c.0.s8.s32 v11;
	v11 =	vunpack.c.l.s4.s8 v40;
	_, v27, _ =	vpop (xrf1);
	v42 =	vperm.xlane v6, v7  }
0x4a: {  	v8 =	vadd.f32 v8, v15;
	v29 =	vperm.xlane v27, v2;
	v9 =	vperm.xlane v27, v9  }
0x4b: {  	v44 =	vcombine.low v39, v5;
	v46 =	vunpack.c.0.s8.s32 v11;
	v45 =	vadd.f32 v42, v6;
	_, v31, _ =	vpop (xrf1)  }
0x4c: {  	v10 =	vsel vm0, v30, v29;
	v32 =	vperm.xlane v31, v2;
	v12 =	vperm.xlane v31, v12;
	_, v35, _ =	vpop (xrf1)  }
0x4d: {  	v9 =	vsel vm8, v9, v30;
	v10 =	vsub.f32 v27, v10;
	v36 =	vperm.xlane v35, v2  }
0x4e: {  	v4 =	vsel vm0, v9, v32;
	v9 =	vsel vm13, v12, v9;
	v12 =	vunpack.c.l.s4.s8 v41  }
0x4f: {  	v6 =	vunpack.c.l.s4.s8 v50;
	v10 =	vand.u32 $0x7FFFFFFF, v10;
	v2 =	vsel vm0, v9, v36  }
0x50: {  	v43 =	vsub.f32 v35, v2;
	v47 =	vunpack.c.0.s8.s32 v12;
	v2 =	vand.u32 $0xF, v44  }
0x51: {  	v10 =	vnsel vm2, $0x0, v10;
	v4 =	vsub.f32 v31, v4;
	v49 =	vperm.xlane v45, v2  }
0x52: {  	v6 =	vunpack.c.0.s8.s32 v6;
	v8 =	vadd.f32 v10, v8;
	v5 =	vcombine.low v47, v46  }
0x53: {  	v10 =	vunpack.c.0.s8.s32 v53;
	v4 =	vand.u32 $0x7FFFFFFF, v4;
	v3 =	vadd.f32 v49, v45  }
0x54: {  	v4 =	vnsel vm1, $0x0, v4;
	vm1 =	vmand vm12, vm14;
	v5 =	vand.u32 $0xF, v5  }
0x55: {  	v0 =	vand.u32 $0x7FFFFFFF, v43;
	v4 =	vadd.f32 v4, v8;
	v54 =	vperm.xlane v3, v5  }
0x56: {  	v6 =	vand.u32 $0xF, v6;
	v0 =	vnsel vm1, $0x0, v0  }
0x57: {  	v55 =	vcombine.low v6, v10;
	v0 =	vadd.f32 v0, v4;
	v3 =	vadd.f32 v54, v3;
	_ =	sdelay $0x1  }
0x58: {  	v7 =	vperm.xlane v0, v7;
	v6 =	vperm.xlane v3, v55;
	_ =	sdelay $0x1  }
0x59: {  	v0 =	vadd.f32 v7, v0;
	v3 =	vadd.f32 v6, v3  }
0x5a: {  	v57 =	vadd.f32 $-1.000000000e+00, v48;
	v56 =	vpop (erf)  }
0x5b: {  	v2 =	vperm.xlane v0, v2;
	v3 =	vmul.f32 v3, v56  }
0x5c: {  	v58 =	vmax.f32 v57, $1.000000000e+00  }
0x5d: {  	(erf) = vrcp.f32 v58;
	v0 =	vadd.f32 v2, v0;
	v59 =	vadd.f32 $9.999999930e-09, v3;
	_ =	sdelay $0x1  }
0x5e: {  	v60 =	vperm.xlane v0, v5;
	(erf) = vrcp.f32 v59;
	_ =	sdelay $0x1  }
0x5f: {  	v0 =	vadd.f32 v60, v0;
	_ =	sdelay $0x1  }
0x60: {  	v61 =	vperm.xlane v0, v55;
	_ =	sdelay $0x1  }
0x61: {  	v0 =	vadd.f32 v61, v0  }
0x62: {  	v62 =	vpop (erf)  }
0x63: {  	v0 =	vmul.f32 v0, v62  }
0x64: {  	v63 =	vpop (erf)  }
0x65: {  	v0 =	vmul.f32 v0, v63  }
0x66: {  	s2 =	sshll.u32 s2, $0xA;
	vm15 =	vgt.s32 v1, $0x1  }
0x67: {  	s2 =	sor.u32 s3, s2;
	v0 =	vnsel vm15, $0x0, v0  }
0x68: {  	s29 =	simm.s32 $0x0;
	s2 =	sshrl.u32 s2, $0x3;
	v0 =	vnsel vm0, $0x0, v0  }
0x69: {  	s30 =	simm.s32 $0x800;
	s31 =	simm.s32 $0x1;
	s2 =	sadd.s32 s4, s2;
	[tilespmem:$0x800] =	vst v0  }
0x6a: {  	[hbm4b:s2+s29] =	stream.linear.scatter [tilespmem:s30], [sflag:$0x1], $0x80, $0x38;
	[tilespmem:$0x880] =	vst v63  }
0x6b: {  	_ =	swait.ge [sflag:s31], $0x80  }
0x6c: {  	[sflag:s31] =	ssyncset.done $0x0  }
0x6d: {  	[sflag:s31] =	ssyncadd.s32 $0xFFFFFF80  }
0x6e: {  	_ =	sfence.sel $0x180000  }
0x6f: {  	[bflag:$0x0] =	sbarrier.arrive $0xFFFF  }
0x70: {  	p0 =	sne.s32 s1, $0x0;
	_ =	strace $0x90000047  }
0x71: {  	s0 =	sadd.s32 @!p0 $0x100000, s0;
	[bflag:$0x2] =	sbarrier.arrive $0xFFFF  }
0x72: {  	[sflag:s0] =	ssyncadd.tile.s32 @!p0 $0x1;
	_ =	shalt  }
.Lfunc_end2:
_tile_overlayer_lowered:
.L_overlay_start_2:
0x73: {  	(tag) =	ssettag $0x2  }
0x74: {  	s0 =	rddreg [dreg:$0x0];
	s2 =	stileid.u32  }
0x75: {  	s1 =	rddreg [dreg:$0x1];
	p0 =	sne.s32 s2, $0x0  }
0x76: {  	s3 =	rddreg [dreg:$0x2];
	[bflag:$0x3] =	sbarrier.arrive $0xFFFF;
	s2 =	simm.s32 @!p0 $0x1C01  }
0x77: {  	[timem:s3], [sflag:s2] =	dma.local @!p0 [hbm:s0], s1  }
0x78: {  	s0 =	simm.s32 @!p0 $0x1  }
0x79: {  	_ =	swait.ge @!p0 [sflag:s0], s1  }
0x7a: {  	s1 =	ssub.s32 @!p0 $0x0, s1;
	[sflag:s0] =	ssyncset.done @!p0 $0x0  }
0x7b: {  	[sflag:s0] =	ssyncadd.s32 @!p0 s1  }
0x7c: {  	[bflag:$0x3] =	sbarrier.arrive $0xFFFF  }
0x7d: {  	_ =	shalt  }

</sc_bundles>
